<compile_context>
chip_gen: v7x
topology: tpu7x:2x2x1
jax: 0.10.2.dev20260603
libtpu: 0.0.44.dev20260713+nightly
codegen_flags: <defaults>
</compile_context>

<pallas_src>
import functools

import jax
import jax.numpy as jnp
from jax import lax
from jax.experimental import pallas as pl
from jax.experimental.pallas import tpu as pltpu
from jax.experimental.pallas import tpu_sc as plsc

_NC = 1
_NS = 16
_NW = _NC * _NS
_LANES = 16


def _make_gather_loss(N: int, C: int):
    chunk = N // _NW
    nvec = chunk // _LANES
    half = 128
    nstream = chunk // half

    mesh = plsc.VectorSubcoreMesh(
        core_axis_name="c", subcore_axis_name="s", num_cores=_NC
    )

    @functools.partial(
        pl.kernel,
        mesh=mesh,
        out_type=jax.ShapeDtypeStruct((_NW, _LANES), jnp.float32),
        scratch_types=[
            pltpu.VMEM((chunk,), jnp.int32),
            pltpu.VMEM((chunk,), jnp.int32),
            pltpu.VMEM((chunk,), jnp.float32),
            pltpu.VMEM((chunk,), jnp.float32),
            pltpu.VMEM((_LANES,), jnp.float32),
            pltpu.SemaphoreType.DMA,
        ],
    )
    def gather_loss(prob_hbm, tcol_hbm, rw_hbm, out_hbm,
                    tcol_v, idx_v, val_v, rw_v, acc_v, sem):
        wid = lax.axis_index("s") * _NC + lax.axis_index("c")
        base = wid * chunk
        pltpu.sync_copy(tcol_hbm.at[pl.ds(base, chunk)], tcol_v)
        pltpu.sync_copy(rw_hbm.at[pl.ds(base, chunk)], rw_v)

        iota = lax.broadcasted_iota(jnp.int32, (_LANES,), 0)
        tile_cols = C // 128

        def idx_body(j, _):
            t = tcol_v[pl.ds(j * _LANES, _LANES)]
            row = base + j * _LANES + iota
            idx_v[pl.ds(j * _LANES, _LANES)] = (
                ((row >> 3) * (tile_cols * 1024))
                + ((t >> 7) << 10)
                + ((row & 7) << 7)
                + (t & 127)
            )
            return _

        lax.fori_loop(0, nvec, idx_body, 0)

        cps = [
            pltpu.async_copy(
                prob_hbm.at[idx_v.at[pl.ds(k * half, half)]],
                val_v.at[pl.ds(k * half, half)],
                sem,
            )
            for k in range(nstream)
        ]
        for cp in cps:
            cp.wait()

        def acc_body(j, acc):
            return acc + (
                val_v[pl.ds(j * _LANES, _LANES)]
                * rw_v[pl.ds(j * _LANES, _LANES)]
            )

        acc_v[...] = lax.fori_loop(
            0, nvec, acc_body, jnp.zeros((_LANES,), jnp.float32)
        )
        pltpu.sync_copy(acc_v, out_hbm.at[wid])

    return gather_loss


def kernel(prob, target, reward):
    B, L, C = prob.shape
    N = B * L
    tcol = jnp.transpose(target).reshape(-1).astype(jnp.int32)
    rw = jnp.transpose(reward[:L, :]).reshape(-1)
    prob_flat = (
        prob.reshape(N // 8, 8, C // 128, 128)
        .transpose(0, 2, 1, 3)
        .reshape(-1)
    )

    partials = _make_gather_loss(N, C)(prob_flat, tcol, rw)
    return (jnp.sum(partials) / jnp.float32(L)).reshape(1, 1)

# --- scband reference (transcript-rebuilt; emitter-appended) ---
"""Pipeline reference for scband-ganloss-26834955665661 (READ-ONLY COPY).

The authoritative reference and input builder live on the scoring server;
editing this copy changes nothing except your own understanding.
"""

import jax, jax.numpy as jnp
import numpy as np

B, L, C = 4, 2048, 4096

def setup_inputs(seed: int = 0):
    key = jax.random.key(seed)
    k1, k2, k3 = jax.random.split(key, 3)
    prob = jax.random.normal(k1, (B, L, C), dtype=jnp.float32)
    target = jax.random.randint(k2, (B, L), 0, C, dtype=jnp.int32)
    reward = jax.random.uniform(k3, (L, B), dtype=jnp.float32)
    return {"prob": prob, "target": target, "reward": reward}

def reference(prob, target, reward):
    # pad_sequence on a (B, L) tensor of equal-length rows -> (L, B)
    tgt = jnp.transpose(target)            # (L, B)
    seq_len = tgt.shape[0]
    t = tgt.reshape(-1)                    # (L*B,) L-major flatten, as in torch .view(-1)
    p = prob.reshape(-1, prob.shape[2])    # (B*L, C)
    r = jnp.transpose(reward[:seq_len, :]).reshape(-1, 1)  # (B*L, 1)
    N = t.shape[0]
    Cc = p.shape[1]
    # one_hot.scatter_(1, target, 1) -> scatter-overwrite
    one_hot = jnp.zeros((N, Cc), dtype=jnp.float32).at[jnp.arange(N), t].set(1.0)
    # masked_select(prob, one_hot) in row-major order == per-row gather at column t[i]
    loss = jnp.sum(p * one_hot, axis=1).reshape(1, -1)  # (1, N)
    loss = loss @ r                      # (1, 1)
    loss = loss / seq_len
    return loss

if __name__ == "__main__":
    import jax
    _d = setup_inputs()
    print(jax.jit(kernel)(*tuple(_d.values())))

</pallas_src>

<mosaic_0001>
#map = affine_map<(d0, d1) -> (0)>
#map1 = affine_map<(d0, d1) -> (0, 0)>
module attributes {stable_mosaic.version = 14 : i64} {
  func.func @gather_loss(%arg0: i32, %arg1: i32, %arg2: memref<33554432xf32, #tpu.memory_space<hbm>>, %arg3: memref<8192xi32, #tpu.memory_space<hbm>>, %arg4: memref<8192xf32, #tpu.memory_space<hbm>>, %arg5: memref<16x16xf32, #tpu.memory_space<hbm>>, %arg6: memref<512xi32, #tpu.memory_space<vmem>>, %arg7: memref<512xi32, #tpu.memory_space<vmem>>, %arg8: memref<512xf32, #tpu.memory_space<vmem>>, %arg9: memref<512xf32, #tpu.memory_space<vmem>>, %arg10: memref<16xf32, #tpu.memory_space<vmem>>, %arg11: memref<!tpu.dma_semaphore, #tpu.memory_space<semaphore_mem>>) attributes {dimension_semantics = [#tpu.dimension_semantics<core_parallel>, #tpu.dimension_semantics<subcore_parallel>], iteration_bounds = array<i64: 1, 16>, scalar_prefetch = 0 : i64, scratch_operands = 6 : i64, tpu.core_type = #tpu.core_type<sc_vector_subcore>, window_params = [{transform_indices = #map}, {transform_indices = #map}, {transform_indices = #map}, {transform_indices = #map1}]} {
    %mul3A = arith.constant 1 : i32
    %mul3A_0 = arith.muli %arg1, %mul3A : i32
    %add3A = arith.addi %mul3A_0, %arg0 : i32
    %mul3A_1 = arith.constant 512 : i32
    %mul3A_2 = arith.muli %add3A, %mul3A_1 : i32
    "tpu.region"() ({
      %run_scoped3A = tpu.sem_alloc : memref<!tpu.dma_semaphore, #tpu.memory_space<semaphore_mem>>
      %dma_start3A_64 = tpu.memref_slice %arg3[%mul3A_2] : memref<8192xi32, #tpu.memory_space<hbm>> -> memref<512xi32, #tpu.memory_space<hbm>>
      %dma_start3A_65 = tpu.memref_slice %arg3[%mul3A_2] : memref<8192xi32, #tpu.memory_space<hbm>> -> memref<512xi32, #tpu.memory_space<hbm>>
      tpu.enqueue_dma source(%dma_start3A_65 : memref<512xi32, #tpu.memory_space<hbm>>) target(%arg6 : memref<512xi32, #tpu.memory_space<vmem>>) target_semaphore(%run_scoped3A : memref<!tpu.dma_semaphore, #tpu.memory_space<semaphore_mem>>)
      %dma_wait3A_66 = tpu.memref_slice %arg3[%mul3A_2] : memref<8192xi32, #tpu.memory_space<hbm>> -> memref<512xi32, #tpu.memory_space<hbm>>
      %dma_wait3A_67 = tpu.memref_slice %arg3[%mul3A_2] : memref<8192xi32, #tpu.memory_space<hbm>> -> memref<512xi32, #tpu.memory_space<hbm>>
      tpu.wait_dma2 semaphore(%run_scoped3A : memref<!tpu.dma_semaphore, #tpu.memory_space<semaphore_mem>>) src(%dma_wait3A_67 : memref<512xi32, #tpu.memory_space<hbm>>) dst(%arg6 : memref<512xi32, #tpu.memory_space<vmem>>)
      tpu.yield
    }) : () -> ()
    "tpu.region"() ({
      %run_scoped3A = tpu.sem_alloc : memref<!tpu.dma_semaphore, #tpu.memory_space<semaphore_mem>>
      %dma_start3A_64 = tpu.memref_slice %arg4[%mul3A_2] : memref<8192xf32, #tpu.memory_space<hbm>> -> memref<512xf32, #tpu.memory_space<hbm>>
      %dma_start3A_65 = tpu.memref_slice %arg4[%mul3A_2] : memref<8192xf32, #tpu.memory_space<hbm>> -> memref<512xf32, #tpu.memory_space<hbm>>
      tpu.enqueue_dma source(%dma_start3A_65 : memref<512xf32, #tpu.memory_space<hbm>>) target(%arg9 : memref<512xf32, #tpu.memory_space<vmem>>) target_semaphore(%run_scoped3A : memref<!tpu.dma_semaphore, #tpu.memory_space<semaphore_mem>>)
      %dma_wait3A_66 = tpu.memref_slice %arg4[%mul3A_2] : memref<8192xf32, #tpu.memory_space<hbm>> -> memref<512xf32, #tpu.memory_space<hbm>>
      %dma_wait3A_67 = tpu.memref_slice %arg4[%mul3A_2] : memref<8192xf32, #tpu.memory_space<hbm>> -> memref<512xf32, #tpu.memory_space<hbm>>
      tpu.wait_dma2 semaphore(%run_scoped3A : memref<!tpu.dma_semaphore, #tpu.memory_space<semaphore_mem>>) src(%dma_wait3A_67 : memref<512xf32, #tpu.memory_space<hbm>>) dst(%arg9 : memref<512xf32, #tpu.memory_space<vmem>>)
      tpu.yield
    }) : () -> ()
    %iota3A = tpu.iota {dimensions = array<i32: 0>} : vector<16xi32>
    %scan3A = arith.constant 0 : i32
    %scan3A_3 = arith.constant 0 : i32
    %scan3A_4 = arith.constant 32 : i32
    %scan3A_5 = arith.addi %scan3A_3, %scan3A_4 : i32
    %scan3A_6 = arith.constant 1 : i32
    scf.for %scan3A_64 = %scan3A_3 to %scan3A_5 step %scan3A_6  : i32 {
      %mul3A_65 = arith.constant 16 : i32
      %mul3A_66 = arith.muli %scan3A_64, %mul3A_65 : i32
      %get3A = arith.index_cast %mul3A_66 : i32 to index
      %get3A_67 = tpu.vector_load %arg6[%get3A] {strides = array<i32>} : memref<512xi32, #tpu.memory_space<vmem>>, vector<16xi32>,
      %get3A_68 = vector.shape_cast %get3A_67 : vector<16xi32> to vector<16xi32>
      %mul3A_69 = arith.constant 16 : i32
      %mul3A_70 = arith.muli %scan3A_64, %mul3A_69 : i32
      %add3A_71 = arith.addi %mul3A_2, %mul3A_70 : i32
      %add3A_72 = vector.broadcast %add3A_71 : i32 to vector<16xi32>
      %add3A_73 = arith.addi %add3A_72, %iota3A : vector<16xi32>
      %shift_right_arithmetic3A = arith.constant 3 : i32
      %shift_right_arithmetic3A_74 = vector.broadcast %shift_right_arithmetic3A : i32 to vector<16xi32>
      %shift_right_arithmetic3A_75 = arith.shrsi %add3A_73, %shift_right_arithmetic3A_74 : vector<16xi32>
      %mul3A_76 = arith.constant 32768 : i32
      %mul3A_77 = vector.broadcast %mul3A_76 : i32 to vector<16xi32>
      %mul3A_78 = arith.muli %shift_right_arithmetic3A_75, %mul3A_77 : vector<16xi32>
      %shift_right_arithmetic3A_79 = arith.constant 7 : i32
      %shift_right_arithmetic3A_80 = vector.broadcast %shift_right_arithmetic3A_79 : i32 to vector<16xi32>
      %shift_right_arithmetic3A_81 = arith.shrsi %get3A_68, %shift_right_arithmetic3A_80 : vector<16xi32>
      %shift_left3A = arith.constant 10 : i32
      %shift_left3A_82 = vector.broadcast %shift_left3A : i32 to vector<16xi32>
      %shift_left3A_83 = arith.shli %shift_right_arithmetic3A_81, %shift_left3A_82 : vector<16xi32>
      %add3A_84 = arith.addi %mul3A_78, %shift_left3A_83 : vector<16xi32>
      %and3A = arith.constant 7 : i32
      %and3A_85 = vector.broadcast %and3A : i32 to vector<16xi32>
      %and3A_86 = arith.andi %add3A_73, %and3A_85 : vector<16xi32>
      %shift_left3A_87 = arith.constant 7 : i32
      %shift_left3A_88 = vector.broadcast %shift_left3A_87 : i32 to vector<16xi32>
      %shift_left3A_89 = arith.shli %and3A_86, %shift_left3A_88 : vector<16xi32>
      %add3A_90 = arith.addi %add3A_84, %shift_left3A_89 : vector<16xi32>
      %and3A_91 = arith.constant 127 : i32
      %and3A_92 = vector.broadcast %and3A_91 : i32 to vector<16xi32>
      %and3A_93 = arith.andi %get3A_68, %and3A_92 : vector<16xi32>
      %add3A_94 = arith.addi %add3A_90, %and3A_93 : vector<16xi32>
      %mul3A_95 = arith.constant 16 : i32
      %mul3A_96 = arith.muli %scan3A_64, %mul3A_95 : i32
      %swap3A_97 = arith.index_cast %mul3A_96 : i32 to index
      %swap3A_98 = tpu.vector_load %arg7[%swap3A_97] {strides = array<i32>} : memref<512xi32, #tpu.memory_space<vmem>>, vector<16xi32>,
      %swap3A_99 = vector.shape_cast %swap3A_98 : vector<16xi32> to vector<16xi32>
      %swap3A_100 = vector.shape_cast %add3A_94 : vector<16xi32> to vector<16xi32>
      tpu.vector_store %arg7[%swap3A_97], %swap3A_100 {strides = array<i32>} : memref<512xi32, #tpu.memory_space<vmem>>, vector<16xi32>,
    }
    %scan3A_7 = arith.constant 32 : i32
    %dma_start3A = arith.constant 0 : i32
    %dma_start3A_8 = tpu.memref_slice %arg8[%dma_start3A] : memref<512xf32, #tpu.memory_space<vmem>> -> memref<128xf32, #tpu.memory_space<vmem>>
    %dma_start3A_9 = arith.constant 0 : i32
    %dma_start3A_10 = tpu.memref_slice %arg7[%dma_start3A_9] : memref<512xi32, #tpu.memory_space<vmem>> -> memref<128xi32, #tpu.memory_space<vmem>>
    %dma_start3A_11 = arith.constant 0 : i32
    %dma_start3A_12 = tpu.memref_slice %arg2[%dma_start3A_11] : memref<33554432xf32, #tpu.memory_space<hbm>> -> memref<33554432xf32, #tpu.memory_space<hbm>>
    tpu.enqueue_indirect_dma source(%dma_start3A_12 : memref<33554432xf32, #tpu.memory_space<hbm>>) target(%dma_start3A_8 : memref<128xf32, #tpu.memory_space<vmem>>) offsets(%dma_start3A_10 : memref<128xi32, #tpu.memory_space<vmem>>) semaphore(%arg11 : memref<!tpu.dma_semaphore, #tpu.memory_space<semaphore_mem>>)
    %dma_start3A_13 = arith.constant 128 : i32
    %dma_start3A_14 = tpu.memref_slice %arg8[%dma_start3A_13] : memref<512xf32, #tpu.memory_space<vmem>> -> memref<128xf32, #tpu.memory_space<vmem>>
    %dma_start3A_15 = arith.constant 128 : i32
    %dma_start3A_16 = tpu.memref_slice %arg7[%dma_start3A_15] : memref<512xi32, #tpu.memory_space<vmem>> -> memref<128xi32, #tpu.memory_space<vmem>>
    %dma_start3A_17 = arith.constant 0 : i32
    %dma_start3A_18 = tpu.memref_slice %arg2[%dma_start3A_17] : memref<33554432xf32, #tpu.memory_space<hbm>> -> memref<33554432xf32, #tpu.memory_space<hbm>>
    tpu.enqueue_indirect_dma source(%dma_start3A_18 : memref<33554432xf32, #tpu.memory_space<hbm>>) target(%dma_start3A_14 : memref<128xf32, #tpu.memory_space<vmem>>) offsets(%dma_start3A_16 : memref<128xi32, #tpu.memory_space<vmem>>) semaphore(%arg11 : memref<!tpu.dma_semaphore, #tpu.memory_space<semaphore_mem>>)
    %dma_start3A_19 = arith.constant 256 : i32
    %dma_start3A_20 = tpu.memref_slice %arg8[%dma_start3A_19] : memref<512xf32, #tpu.memory_space<vmem>> -> memref<128xf32, #tpu.memory_space<vmem>>
    %dma_start3A_21 = arith.constant 256 : i32
    %dma_start3A_22 = tpu.memref_slice %arg7[%dma_start3A_21] : memref<512xi32, #tpu.memory_space<vmem>> -> memref<128xi32, #tpu.memory_space<vmem>>
    %dma_start3A_23 = arith.constant 0 : i32
    %dma_start3A_24 = tpu.memref_slice %arg2[%dma_start3A_23] : memref<33554432xf32, #tpu.memory_space<hbm>> -> memref<33554432xf32, #tpu.memory_space<hbm>>
    tpu.enqueue_indirect_dma source(%dma_start3A_24 : memref<33554432xf32, #tpu.memory_space<hbm>>) target(%dma_start3A_20 : memref<128xf32, #tpu.memory_space<vmem>>) offsets(%dma_start3A_22 : memref<128xi32, #tpu.memory_space<vmem>>) semaphore(%arg11 : memref<!tpu.dma_semaphore, #tpu.memory_space<semaphore_mem>>)
    %dma_start3A_25 = arith.constant 384 : i32
    %dma_start3A_26 = tpu.memref_slice %arg8[%dma_start3A_25] : memref<512xf32, #tpu.memory_space<vmem>> -> memref<128xf32, #tpu.memory_space<vmem>>
    %dma_start3A_27 = arith.constant 384 : i32
    %dma_start3A_28 = tpu.memref_slice %arg7[%dma_start3A_27] : memref<512xi32, #tpu.memory_space<vmem>> -> memref<128xi32, #tpu.memory_space<vmem>>
    %dma_start3A_29 = arith.constant 0 : i32
    %dma_start3A_30 = tpu.memref_slice %arg2[%dma_start3A_29] : memref<33554432xf32, #tpu.memory_space<hbm>> -> memref<33554432xf32, #tpu.memory_space<hbm>>
    tpu.enqueue_indirect_dma source(%dma_start3A_30 : memref<33554432xf32, #tpu.memory_space<hbm>>) target(%dma_start3A_26 : memref<128xf32, #tpu.memory_space<vmem>>) offsets(%dma_start3A_28 : memref<128xi32, #tpu.memory_space<vmem>>) semaphore(%arg11 : memref<!tpu.dma_semaphore, #tpu.memory_space<semaphore_mem>>)
    %dma_wait3A = arith.constant 0 : i32
    %dma_wait3A_31 = tpu.memref_slice %arg8[%dma_wait3A] : memref<512xf32, #tpu.memory_space<vmem>> -> memref<128xf32, #tpu.memory_space<vmem>>
    %dma_wait3A_32 = arith.constant 0 : i32
    %dma_wait3A_33 = tpu.memref_slice %arg7[%dma_wait3A_32] : memref<512xi32, #tpu.memory_space<vmem>> -> memref<128xi32, #tpu.memory_space<vmem>>
    %dma_wait3A_34 = arith.constant 0 : i32
    %dma_wait3A_35 = tpu.memref_slice %arg2[%dma_wait3A_34] : memref<33554432xf32, #tpu.memory_space<hbm>> -> memref<33554432xf32, #tpu.memory_space<hbm>>
    tpu.wait_indirect_dma semaphore(%arg11 : memref<!tpu.dma_semaphore, #tpu.memory_space<semaphore_mem>>) src(%dma_wait3A_35 : memref<33554432xf32, #tpu.memory_space<hbm>>) dst(%dma_wait3A_31 : memref<128xf32, #tpu.memory_space<vmem>>)
    %dma_wait3A_36 = arith.constant 128 : i32
    %dma_wait3A_37 = tpu.memref_slice %arg8[%dma_wait3A_36] : memref<512xf32, #tpu.memory_space<vmem>> -> memref<128xf32, #tpu.memory_space<vmem>>
    %dma_wait3A_38 = arith.constant 128 : i32
    %dma_wait3A_39 = tpu.memref_slice %arg7[%dma_wait3A_38] : memref<512xi32, #tpu.memory_space<vmem>> -> memref<128xi32, #tpu.memory_space<vmem>>
    %dma_wait3A_40 = arith.constant 0 : i32
    %dma_wait3A_41 = tpu.memref_slice %arg2[%dma_wait3A_40] : memref<33554432xf32, #tpu.memory_space<hbm>> -> memref<33554432xf32, #tpu.memory_space<hbm>>
    tpu.wait_indirect_dma semaphore(%arg11 : memref<!tpu.dma_semaphore, #tpu.memory_space<semaphore_mem>>) src(%dma_wait3A_41 : memref<33554432xf32, #tpu.memory_space<hbm>>) dst(%dma_wait3A_37 : memref<128xf32, #tpu.memory_space<vmem>>)
    %dma_wait3A_42 = arith.constant 256 : i32
    %dma_wait3A_43 = tpu.memref_slice %arg8[%dma_wait3A_42] : memref<512xf32, #tpu.memory_space<vmem>> -> memref<128xf32, #tpu.memory_space<vmem>>
    %dma_wait3A_44 = arith.constant 256 : i32
    %dma_wait3A_45 = tpu.memref_slice %arg7[%dma_wait3A_44] : memref<512xi32, #tpu.memory_space<vmem>> -> memref<128xi32, #tpu.memory_space<vmem>>
    %dma_wait3A_46 = arith.constant 0 : i32
    %dma_wait3A_47 = tpu.memref_slice %arg2[%dma_wait3A_46] : memref<33554432xf32, #tpu.memory_space<hbm>> -> memref<33554432xf32, #tpu.memory_space<hbm>>
    tpu.wait_indirect_dma semaphore(%arg11 : memref<!tpu.dma_semaphore, #tpu.memory_space<semaphore_mem>>) src(%dma_wait3A_47 : memref<33554432xf32, #tpu.memory_space<hbm>>) dst(%dma_wait3A_43 : memref<128xf32, #tpu.memory_space<vmem>>)
    %dma_wait3A_48 = arith.constant 384 : i32
    %dma_wait3A_49 = tpu.memref_slice %arg8[%dma_wait3A_48] : memref<512xf32, #tpu.memory_space<vmem>> -> memref<128xf32, #tpu.memory_space<vmem>>
    %dma_wait3A_50 = arith.constant 384 : i32
    %dma_wait3A_51 = tpu.memref_slice %arg7[%dma_wait3A_50] : memref<512xi32, #tpu.memory_space<vmem>> -> memref<128xi32, #tpu.memory_space<vmem>>
    %dma_wait3A_52 = arith.constant 0 : i32
    %dma_wait3A_53 = tpu.memref_slice %arg2[%dma_wait3A_52] : memref<33554432xf32, #tpu.memory_space<hbm>> -> memref<33554432xf32, #tpu.memory_space<hbm>>
    tpu.wait_indirect_dma semaphore(%arg11 : memref<!tpu.dma_semaphore, #tpu.memory_space<semaphore_mem>>) src(%dma_wait3A_53 : memref<33554432xf32, #tpu.memory_space<hbm>>) dst(%dma_wait3A_49 : memref<128xf32, #tpu.memory_space<vmem>>)
    %broadcast_in_dim3A = arith.constant 0.000000e+00 : f32
    %broadcast_in_dim3A_54 = vector.broadcast %broadcast_in_dim3A : f32 to vector<16xf32>
    %scan3A_55 = arith.constant 0 : i32
    %scan3A_56 = arith.constant 32 : i32
    %scan3A_57 = arith.addi %scan3A_55, %scan3A_56 : i32
    %scan3A_58 = arith.constant 1 : i32
    %scan3A_59 = scf.for %scan3A_64 = %scan3A_55 to %scan3A_57 step %scan3A_58 iter_args(%scan3A_65 = %broadcast_in_dim3A_54) -> (vector<16xf32>)  : i32 {
      %mul3A_66 = arith.constant 16 : i32
      %mul3A_67 = arith.muli %scan3A_64, %mul3A_66 : i32
      %get3A = arith.index_cast %mul3A_67 : i32 to index
      %get3A_68 = tpu.vector_load %arg8[%get3A] {strides = array<i32>} : memref<512xf32, #tpu.memory_space<vmem>>, vector<16xf32>,
      %get3A_69 = vector.shape_cast %get3A_68 : vector<16xf32> to vector<16xf32>
      %mul3A_70 = arith.constant 16 : i32
      %mul3A_71 = arith.muli %scan3A_64, %mul3A_70 : i32
      %get3A_72 = arith.index_cast %mul3A_71 : i32 to index
      %get3A_73 = tpu.vector_load %arg9[%get3A_72] {strides = array<i32>} : memref<512xf32, #tpu.memory_space<vmem>>, vector<16xf32>,
      %get3A_74 = vector.shape_cast %get3A_73 : vector<16xf32> to vector<16xf32>
      %mul3A_75 = arith.mulf %get3A_69, %get3A_74 : vector<16xf32>
      %add3A_76 = arith.addf %scan3A_65, %mul3A_75 : vector<16xf32>
      scf.yield %add3A_76 : vector<16xf32>
    }
    %scan3A_60 = arith.constant 32 : i32
    %swap3A = arith.constant 0 : index
    %swap3A_61 = tpu.vector_load %arg10[%swap3A] {strides = array<i32>} : memref<16xf32, #tpu.memory_space<vmem>>, vector<16xf32>,
    %swap3A_62 = vector.shape_cast %swap3A_61 : vector<16xf32> to vector<16xf32>
    %swap3A_63 = vector.shape_cast %scan3A_59 : vector<16xf32> to vector<16xf32>
    tpu.vector_store %arg10[%swap3A], %swap3A_63 {strides = array<i32>} : memref<16xf32, #tpu.memory_space<vmem>>, vector<16xf32>,
    "tpu.region"() ({
      %run_scoped3A = tpu.sem_alloc : memref<!tpu.dma_semaphore, #tpu.memory_space<semaphore_mem>>
      %dma_start3A_64 = arith.constant 0 : i32
      %dma_start3A_65 = tpu.memref_slice %arg5[%add3A, %dma_start3A_64] : memref<16x16xf32, #tpu.memory_space<hbm>> -> memref<1x16xf32, #tpu.memory_space<hbm>>
      %dma_start3A_66 = tpu.memref_squeeze %dma_start3A_65 : memref<1x16xf32, #tpu.memory_space<hbm>> -> memref<16xf32, #tpu.memory_space<hbm>>
      %dma_start3A_67 = arith.constant 0 : i32
      %dma_start3A_68 = tpu.memref_slice %arg5[%add3A, %dma_start3A_67] : memref<16x16xf32, #tpu.memory_space<hbm>> -> memref<1x16xf32, #tpu.memory_space<hbm>>
      %dma_start3A_69 = tpu.memref_squeeze %dma_start3A_68 : memref<1x16xf32, #tpu.memory_space<hbm>> -> memref<16xf32, #tpu.memory_space<hbm>>
      tpu.enqueue_dma source(%arg10 : memref<16xf32, #tpu.memory_space<vmem>>) target(%dma_start3A_69 : memref<16xf32, #tpu.memory_space<hbm>>) target_semaphore(%run_scoped3A : memref<!tpu.dma_semaphore, #tpu.memory_space<semaphore_mem>>)
      %dma_wait3A_70 = arith.constant 0 : i32
      %dma_wait3A_71 = tpu.memref_slice %arg5[%add3A, %dma_wait3A_70] : memref<16x16xf32, #tpu.memory_space<hbm>> -> memref<1x16xf32, #tpu.memory_space<hbm>>
      %dma_wait3A_72 = tpu.memref_squeeze %dma_wait3A_71 : memref<1x16xf32, #tpu.memory_space<hbm>> -> memref<16xf32, #tpu.memory_space<hbm>>
      %dma_wait3A_73 = arith.constant 0 : i32
      %dma_wait3A_74 = tpu.memref_slice %arg5[%add3A, %dma_wait3A_73] : memref<16x16xf32, #tpu.memory_space<hbm>> -> memref<1x16xf32, #tpu.memory_space<hbm>>
      %dma_wait3A_75 = tpu.memref_squeeze %dma_wait3A_74 : memref<1x16xf32, #tpu.memory_space<hbm>> -> memref<16xf32, #tpu.memory_space<hbm>>
      tpu.wait_dma2 semaphore(%run_scoped3A : memref<!tpu.dma_semaphore, #tpu.memory_space<semaphore_mem>>) src(%arg10 : memref<16xf32, #tpu.memory_space<vmem>>) dst(%dma_wait3A_75 : memref<16xf32, #tpu.memory_space<hbm>>)
      tpu.yield
    }) : () -> ()
    return
  }
}

</mosaic_0001>

<sc_bundles>
// kernel: kernel.3.cloned.1.call-start
scs
__scs_entry_jumppad:
0x0: {  	(pc) =	sbr.rel $0x88, $3  }
0x1: {  	(tag) =	ssettag $0x0;
	lr =	simm.s32 $0x1  }
0x2: {  	[smem:$0x3F9E] =	sst lr;
	_ =	strace $0xD0000000  }
0x3: {  	_ = 	snop  }
0x4: {  	_ = 	snop  }
0x5: {  	_ = 	snop  }
0x6: {  	_ = 	snop  }
0x7: {  	_ = 	snop  }
__scs_overlays_trampoline_lowered:
0x8: {  	[smem:$0x3FAD] =	sst s0  }
0x9: {  	[smem:$0x3FAE] =	sst s1  }
0xa: {  	[smem:$0x3FAF] =	sst s2  }
0xb: {  	[smem:$0x3FB0] =	sst s3  }
0xc: {  	[smem:$0x3FB1] =	sst s4  }
0xd: {  	[smem:$0x3FB2] =	sst s5  }
0xe: {  	[smem:$0x3FB3] =	sst s6  }
0xf: {  	[smem:$0x3FB4] =	sst s7  }
0x10: {  	[smem:$0x3FB5] =	sst s8  }
0x11: {  	[smem:$0x3FB6] =	sst s9;
	s0 =	simm.s32 @!p0 $0x0  }
0x12: {  	s1 =	sld [smem:$0x3F9C];
	s0 =	simm.s32 @p0 $0x1  }
0x13: {  	[smem:$0x3FB7] =	sst s0;
	s0 =	simm.s32 @!p1 $0x0  }
0x14: {  	s2 =	sld [smem:$0x3F9B];
	s0 =	simm.s32 @p1 $0x1  }
0x15: {  	[smem:$0x3FB8] =	sst s0;
	s0 =	simm.s32 @!p2 $0x0  }
0x16: {  	s3 =	sld [smem:$0x3FDB];
	s0 =	simm.s32 @p2 $0x1  }
0x17: {  	s4 =	simm.s32 $0x1BF5;
	[smem:$0x3FBA] =	sst s0  }
0x18: {  	s0 =	sld [smem:$0x3F9D];
	_ =	swait.ge [sflag:s4], $0x0  }
0x19: {  	s7 =	sld [smem:$0x3F9E]  }
0x1a: {  	s8 =	sadd.s32 $0xFFFFE003, lr  }
0x1b: {  	s9 =	sadd.s32 $0xFFFFFEF7, lr;
	s5 =	simm.s32 $0xFFFFFFFF;
	p2 =	slt.u32 s8, $0xFFFFF086  }
0x1c: {  	p1 =	slt.u32 s9, $0xF7A;
	s5 =	simm.s32 @!p2 $0x0  }
0x1d: {  	s5 =	simm.s32 @p1 $0x1;
	p0 =	seq.s32 s7, s2  }
0x1e: {  	s7 =	smul.u32 @!p0 $0xF7A, s2;
	p2 =	seq.s32 @!p0 s5, $0x0  }
0x1f: {  	s9 =	smul.u32 $0xF7A, s1;
	s8 =	simm.s32 @!p0 $0x1BF5;
	p2 =	por !p2, p0  }
0x20: {  	[sflag:s8] =	ssyncset.s32 @!p0 $0xFFFFF086;
	s6 =	sadd.s32 @!p0 s3, s7;
	s7 =	simm.s32 @!p0 $0x108  }
0x21: {  	s3 =	sadd.s32 s3, s9;
	s6 =	sadd.s32 @!p0 $0x88, s6;
	s7 =	simm.s32 @p2 $0x1082  }
0x22: {  	[simem:s7], [sflag:s8] =	dma.local @!p0 [hbm:s6], $0xF7A  }
0x23: {  	s9 =	sor.u32 $0xD0000000, s2;
	s6 =	simm.s32 $0x108;
	_ =	swait.ge @!p0 [sflag:s8], $0x0  }
0x24: {  	s3 =	sadd.s32 $0x88, s3;
	s6 =	simm.s32 @!p1 $0x1082;
	[sflag:s4] =	ssyncset.s32 $0xFFFFF086  }
0x25: {  	[simem:s6], [sflag:s4] =	dma.local [hbm:s3], $0xF7A  }
0x26: {  	[smem:$0x3F9E] =	sst s1;
	(tag) =	ssettag s2;
	_ =	strace s9  }
0x27: {  	s1 =	sld [smem:$0x3FAE]  }
0x28: {  	s2 =	sld [smem:$0x3FAF]  }
0x29: {  	s4 =	sld [smem:$0x3FB1]  }
0x2a: {  	p0 =	seq.s32 s5, $0x0;
	s5 =	sld [smem:$0x3FB2]  }
0x2b: {  	s6 =	sld [smem:$0x3FB3]  }
0x2c: {  	s7 =	sld [smem:$0x3FB4]  }
0x2d: {  	s3 =	simm.s32 $0x108;
	s8 =	sld [smem:$0x3FB5]  }
0x2e: {  	s3 =	simm.s32 @!p0 $0x1082;
	s9 =	sld [smem:$0x3FB6]  }
0x2f: {  	lr =	sadd.s32 s0, s3;
	s0 =	sld [smem:$0x3FAD]  }
0x30: {  	s3 =	sld [smem:$0x3FB0]  }
0x31: {  	[smem:$0x3FB9] =	sst s10  }
0x32: {  	s10 =	sld [smem:$0x3FB7];
	_ =	sdelay $0x3  }
0x33: {  	p0 =	seq.s32 s10, $0x1;
	s10 =	sld [smem:$0x3FB9];
	_ =	sdelay $0x3  }
0x34: {  	[smem:$0x3FB9] =	sst s10  }
0x35: {  	s10 =	sld [smem:$0x3FB8];
	_ =	sdelay $0x3  }
0x36: {  	p1 =	seq.s32 s10, $0x1;
	s10 =	sld [smem:$0x3FB9];
	_ =	sdelay $0x3  }
0x37: {  	[smem:$0x3FB9] =	sst s10  }
0x38: {  	s10 =	sld [smem:$0x3FBA]  }
0x39: {  	_ = 	snop;
	(pc) =	sbr.ind lr, $3  }
0x3a: {  	_ = 	snop  }
0x3b: {  	_ = 	snop  }
0x3c: {  	p2 =	seq.s32 s10, $0x1;
	s10 =	sld [smem:$0x3FB9]  }
0x3d: {  	_ =	shalt  }
0x3e: {  	_ =	shalt  }
0x3f: {  	_ =	shalt  }
0x40: {  	_ =	shalt  }
0x41: {  	_ =	shalt  }
0x42: {  	_ =	shalt  }
0x43: {  	_ =	shalt  }
0x44: {  	_ =	shalt  }
0x45: {  	_ =	shalt  }
0x46: {  	_ =	shalt  }
0x47: {  	_ =	shalt  }
0x48: {  	_ =	shalt  }
0x49: {  	_ =	shalt  }
0x4a: {  	_ =	shalt  }
0x4b: {  	_ =	shalt  }
0x4c: {  	_ =	shalt  }
0x4d: {  	_ =	shalt  }
0x4e: {  	_ =	shalt  }
0x4f: {  	_ =	shalt  }
0x50: {  	_ =	shalt  }
0x51: {  	_ =	shalt  }
0x52: {  	_ =	shalt  }
0x53: {  	_ =	shalt  }
0x54: {  	_ =	shalt  }
0x55: {  	_ =	shalt  }
0x56: {  	_ =	shalt  }
0x57: {  	_ =	shalt  }
0x58: {  	_ =	shalt  }
0x59: {  	_ =	shalt  }
0x5a: {  	_ =	shalt  }
0x5b: {  	_ =	shalt  }
0x5c: {  	_ =	shalt  }
0x5d: {  	_ =	shalt  }
0x5e: {  	_ =	shalt  }
0x5f: {  	_ =	shalt  }
0x60: {  	_ =	shalt  }
0x61: {  	_ =	shalt  }
0x62: {  	_ =	shalt  }
0x63: {  	_ =	shalt  }
0x64: {  	_ =	shalt  }
0x65: {  	_ =	shalt  }
0x66: {  	_ =	shalt  }
0x67: {  	_ =	shalt  }
0x68: {  	_ =	shalt  }
0x69: {  	_ =	shalt  }
0x6a: {  	_ =	shalt  }
0x6b: {  	_ =	shalt  }
0x6c: {  	_ =	shalt  }
0x6d: {  	_ =	shalt  }
0x6e: {  	_ =	shalt  }
0x6f: {  	_ =	shalt  }
0x70: {  	_ =	shalt  }
0x71: {  	_ =	shalt  }
0x72: {  	_ =	shalt  }
0x73: {  	_ =	shalt  }
0x74: {  	_ =	shalt  }
0x75: {  	_ =	shalt  }
0x76: {  	_ =	shalt  }
0x77: {  	_ =	shalt  }
0x78: {  	_ =	shalt  }
0x79: {  	_ =	shalt  }
0x7a: {  	_ =	shalt  }
0x7b: {  	_ =	shalt  }
0x7c: {  	_ =	shalt  }
0x7d: {  	_ =	shalt  }
0x7e: {  	_ =	shalt  }
0x7f: {  	_ =	shalt  }
0x80: {  	_ =	shalt  }
0x81: {  	_ =	shalt  }
0x82: {  	_ =	shalt  }
0x83: {  	_ =	shalt  }
0x84: {  	_ =	shalt  }
0x85: {  	_ =	shalt  }
0x86: {  	_ =	shalt  }
0x87: {  	_ =	shalt  }
.Lfunc_end0:
.L_simem_size_0:
called_computation_lowered:
.L_overlay_start_0:
0x88: {  	s0 =	sld [smem:$0x3FD9]  }
0x89: {  	s1 =	sld [smem:$0x3FFE];
	_ =	sdelay $0x3  }
0x8a: {  	s0 =	sadd.s32 s1, s0  }
0x8b: {  	[smem:$0x3FC5] =	sst s0  }
0x8c: {  	_ = 	snop  }
0x8d: {  	s0 =	sld [smem:$0x3FC9];
	(tm) =	ssettm $0x1  }
0x8e: {  	s16 =	sld [smem:$0x3FFB];
	_ =	sdelay $0x3  }
0x8f: {  	_ =	strace s16  }
0x90: {  	s1 =	sld [smem:$0x3FFC];
	_ =	sdelay $0x3  }
0x91: {  	_ =	strace s1  }
0x92: {  	s1 =	sld [smem:$0x3FFD];
	_ =	sdelay $0x3  }
0x93: {  	_ =	strace s1  }
0x94: {  	_ =	strace $0x8FFFFFFF  }
0x95: {  	s17 =	sld [smem:$0x3FDB];
	_ =	sdelay $0x1  }
0x96: {  	s2 =	simm.s32 $_scs_section_size  }
0x97: {  	s3 =	simm.s32 $_size__tile_overlayer_lowered;
	s4 =	simm.s32 $_tile_overlayer_lowered  }
0x98: {  	s20 =	simm.s32 $0x1BFF;
	s19 =	sshll.u32 s4, $0x1;
	s1 =	sadd.s32 s2, s17  }
0x99: {  	s5 =	simm.s32 $0x0;
	s18 =	sshll.u32 s3, $0x1;
	s3 =	sadd.s32 s19, s1  }
0x9a: {  	[timem:s5], [sflag:s20] =	dma.local [hbm:s3], s18  }
0x9b: {  	_ =	swait.ge [sflag:s20], s18  }
0x9c: {  	s2 =	ssub.s32 $0x0, s18;
	[sflag:s20] =	ssyncset.done $0x0  }
0x9d: {  	[sflag:s20] =	ssyncadd.s32 s2;
	_ =	sdelay $0x1  }
0x9e: {  	s21 =	simm.s32 $0x1B8B  }
0x9f: {  	_ =	swait.ge [sflag:s21], $0x1  }
0xa0: {  	[sflag:s21] =	ssyncset.done $0x0  }
0xa1: {  	s23 =	simm.s32 $0x1B8E;
	s22 =	sld [smem:$0x3FFE];
	[sflag:s21] =	ssyncadd.s32 $0xFFFFFFFF  }
0xa2: {  	s24 =	simm.s32 $execute0_lowered;
	[smem:$0x3FD2] =	sst s23  }
0xa3: {  	s3 =	sshll.u32 s24, $0x1;
	_ =	strace $0x80000046;
	[dreg:$0x1] =	wrdreg $0xFFFFFFFF  }
0xa4: {  	s25 =	simm.s32 $_size_execute0_lowered;
	s1 =	sadd.s32 s1, s3;
	[dreg:$0x0] =	wrdreg $0x0  }
0xa5: {  	s3 =	sshll.u32 s25, $0x1;
	[dreg:$0x2] =	wrdreg s1  }
0xa6: {  	[dreg:$0x3] =	wrdreg s3  }
0xa7: {  	[dreg:$0x4] =	wrdreg $0xC0  }
0xa8: {  	_ =	task [dreg:s5], $0x5FFFF  }
0xa9: {  	[dreg:$0x1] =	wrdreg $0xFFFFFFFF  }
0xaa: {  	[dreg:$0x0] =	wrdreg $0x60  }
0xab: {  	[dreg:$0x2] =	wrdreg s0  }
0xac: {  	[dreg:$0x3] =	wrdreg s22  }
0xad: {  	[dreg:$0x4] =	wrdreg $0x9  }
0xae: {  	_ =	task.clear_ibuf [dreg:s5], $0x5FFFF;
	_ =	strace $0x90000046  }
0xaf: {  	s26 =	simm.s32 $0x9;
	_ =	strace $0x80000048  }
0xb0: {  	_ =	swait.ge [sflag:s26], $0x1  }
0xb1: {  	[sflag:s26] =	ssyncadd.s32 $0xFFFFFFFF  }
0xb2: {  	_ =	strace $0x90000048  }
0xb3: {  	_ =	sfence  }
0xb4: {  	s28 =	sld [smem:$0x0];
	_ =	sdelay $0x1  }
0xb5: {  	s29 =	srdreg.scid  }
0xb6: {  	s30 =	sshll.u32 s29, $0xD;
	s31 =	sshrl.u32 s29, $0x2  }
0xb7: {  	s2 =	sand.u32 $0x4000, s30;
	s1 =	sand.u32 $0x1, s29;
	s0 =	sadd.s32 s31, s28  }
0xb8: {  	s1 =	sor.u32 s2, s1;
	s0 =	sshll.u32 s0, $0x11  }
0xb9: {  	s0 =	sor.u32 s0, s1  }
0xba: {  	s0 =	sadd.s32 $0x8F2B, s0  }
0xbb: {  	[sflag:s0] =	ssyncadd.remote.s32 $0x1  }
0xbc: {  	_ =	sfence.sel $0xFFFF  }
0xbd: {  	[dreg:$0x0] =	wrdreg $0xFFFFFFFF;
	(pc) =	sbr.abs _section_cstart, $3  }
0xbe: {  	[dreg:$0x1] =	wrdreg $0xFFFFFFFF  }
0xbf: {  	_ =	task.clear_ibuf [dreg:s5], $0x2FFFF;
	_ =	strace $0x9FFFFFFF  }
0xc0: {  	(tm) =	ssettm $0x7FFFFFFF  }
0xc1: {  	_ =	shalt  }
tec
execute0_lowered:
.L_overlay_start_1:
0x0: {  	(tag) =	ssettag $0x1  }
0x1: {  	s3 =	rddreg [dreg:$0x0]  }
0x2: {  	s2 =	rddreg [dreg:$0x1]  }
0x3: {  	s0 =	rddreg [dreg:$0x2];
	s4 =	simm.s32 $0x0;
	s1 =	stileid.u32  }
0x4: {  	[smem:$0x7FF] =	sst s4;
	s5 =	sshll.u32 s1, $0x6  }
0x5: {  	s6 =	simm.s32 $0x2;
	_ =	strace $0x80000047;
	s5 =	sadd.s32 s2, s5  }
0x6: {  	[tilespmem:s4], [sflag:$0x2] =	stream.linear.gather [hbm4b:s5+s4], $0x200, $0x38;
	[tilespmem:$0x880] =	vst v63  }
0x7: {  	_ =	swait.ge [sflag:s6], $0x200  }
0x8: {  	[sflag:s6] =	ssyncset.done $0x0  }
0x9: {  	s7 =	simm.s32 $0x600;
	s5 =	sadd.s32 $0x400, s5;
	[sflag:s6] =	ssyncadd.s32 $0xFFFFFE00  }
0xa: {  	[tilespmem:s7], [sflag:$0x2] =	stream.linear.gather [hbm4b:s5+s4], $0x200, $0x38;
	[tilespmem:$0x880] =	vst v63  }
0xb: {  	_ =	swait.ge [sflag:s6], $0x200  }
0xc: {  	v0 =	vlaneseq.u32;
	[sflag:s6] =	ssyncset.done $0x0  }
0xd: {  	v2 =	vand.u32 $0x7, v0;
	s4 =	simm.s32 $0x0;
	[sflag:s6] =	ssyncadd.s32 $0xFFFFFE00  }
0xe: {  	v1 =	vmul.u32 $0x1000, v0;
	v0 =	vmul.u32 $0x80, v2;
	v2 =	vld [tilespmem:s4+$0x0];
	_ =	sdelay $0x1  }
0xf: {  	s5 =	sshll.u32 s1, $0x9  }
0x10: {  	v3 =	vmov s5  }
0x11: {  	s2 =	sadd.s32 $0x800, s2;
	v3 =	vshll.u32 v3, $0xC;
	s6 =	simm.s32 $0x40  }
.LBB2_1:
0x12: {  	s7 =	sshra.s32 s6, $0x2;
	p0 =	sne.s32 s6, $0x7C0;
	s6 =	sadd.s32 $0x40, s6;
	v3 =	vor.u32 v1, v3;
	v4 =	vshll.u32 v2, $0x3;
	v5 =	vmov v2  }
.Ltmp0:
0x13: {  	v2 =	vld [tilespmem:s7+$0x0];
	v3 =	vand.u32 $0x7FFF8000, v3;
	v4 =	vand.u32 $0xFFFFFC00, v4;
	(pc) =	sbr.rel @p0 .LBB2_1-.Ltmp0, $4  }
0x14: {  	v3 =	vadd.s32 v3, v4;
	v4 =	vand.u32 $0x7F, v5  }
0x15: {  	s5 =	sadd.s32 $0x10, s5;
	v3 =	vor.u32 v4, v3  }
0x16: {  	v4 =	vmov s5;
	v5 =	vor.u32 v0, v3  }
0x17: {  	v3 =	vshll.u32 v4, $0xC;
	[tilespmem:s4+$0x200] =	vst v5;
	s4 =	smov.u32 s7  }
0x18: {  	v1 =	vor.u32 v1, v3;
	v3 =	vshll.u32 v2, $0x3  }
0x19: {  	v1 =	vand.u32 $0x7FFF8000, v1;
	v3 =	vand.u32 $0xFFFFFC00, v3  }
0x1a: {  	v2 =	vand.u32 $0x7F, v2;
	v1 =	vadd.s32 v1, v3  }
0x1b: {  	v1 =	vor.u32 v2, v1  }
0x1c: {  	v0 =	vor.u32 v0, v1  }
0x1d: {  	s22 =	simm.s32 $0x80;
	s5 =	simm.s32 $0x200;
	s6 =	simm.s32 $0x400;
	[tilespmem:s4+$0x200] =	vst v0  }
0x1e: {  	[tilespmem:s6], [sflag:$0x1] =	stream.indirect.gather [hbm4b:s3+s22], $0x1, s5, s22, $0xb8;
	[tilespmem:$0x880] =	vst v63  }
0x1f: {  	s23 =	simm.s32 $0x280;
	s24 =	simm.s32 $0x480  }
0x20: {  	[tilespmem:s24], [sflag:$0x1] =	stream.indirect.gather [hbm4b:s3+s22], $0x1, s23, s22, $0xb8;
	[tilespmem:$0x880] =	vst v63  }
0x21: {  	s25 =	simm.s32 $0x300;
	s26 =	simm.s32 $0x500  }
0x22: {  	[tilespmem:s26], [sflag:$0x1] =	stream.indirect.gather [hbm4b:s3+s22], $0x1, s25, s22, $0xb8;
	[tilespmem:$0x880] =	vst v63  }
0x23: {  	s28 =	simm.s32 $0x380;
	s29 =	simm.s32 $0x580;
	s30 =	simm.s32 $0x1  }
0x24: {  	[tilespmem:s29], [sflag:$0x1] =	stream.indirect.gather [hbm4b:s3+s22], $0x1, s28, s22, $0xb8;
	[tilespmem:$0x880] =	vst v63  }
0x25: {  	_ =	swait.ge [sflag:s30], $0x80  }
0x26: {  	[sflag:s30] =	ssyncset.done $0x0  }
0x27: {  	[sflag:s30] =	ssyncadd.s32 $0xFFFFFF80  }
0x28: {  	_ =	swait.ge [sflag:s30], $0x80  }
0x29: {  	[sflag:s30] =	ssyncset.done $0x0  }
0x2a: {  	[sflag:s30] =	ssyncadd.s32 $0xFFFFFF80  }
0x2b: {  	_ =	swait.ge [sflag:s30], $0x80  }
0x2c: {  	[sflag:s30] =	ssyncset.done $0x0  }
0x2d: {  	[sflag:s30] =	ssyncadd.s32 $0xFFFFFF80  }
0x2e: {  	_ =	swait.ge [sflag:s30], $0x80  }
0x2f: {  	[sflag:s30] =	ssyncset.done $0x0  }
0x30: {  	s31 =	simm.s32 $0x0;
	[sflag:s30] =	ssyncadd.s32 $0xFFFFFF80  }
0x31: {  	v1 =	vld [tilespmem:s31+$0x400]  }
0x32: {  	v0 =	vimm.f32 $0.0e+00;
	s3 =	simm.s32 $0x40;
	v2 =	vld [tilespmem:s31+$0x600]  }
.LBB2_3:
0x33: {  	_ = 	snop  }
0x34: {  	p0 =	sne.s32 s3, $0x7C0  }
.Ltmp1:
0x35: {  	_ = 	snop;
	(pc) =	sbr.rel @p0 .LBB2_3-.Ltmp1, $4  }
0x36: {  	_ = 	snop  }
0x37: {  	s4 =	sshra.s32 s3, $0x2;
	v3 =	vmul.f32 v2, v1  }
0x38: {  	v1 =	vld [tilespmem:s4+$0x400]  }
0x39: {  	s3 =	sadd.s32 $0x40, s3;
	v2 =	vld [tilespmem:s4+$0x600];
	v0 =	vadd.f32 v3, v0  }
0x3a: {  	_ =	sdelay $0x3  }
0x3b: {  	v1 =	vmul.f32 v2, v1;
	_ =	sdelay $0x1  }
0x3c: {  	v0 =	vadd.f32 v1, v0  }
0x3d: {  	s3 =	sshll.u32 s1, $0x4;
	s30 =	simm.s32 $0x0  }
0x3e: {  	s4 =	simm.s32 $0x800;
	s31 =	simm.s32 $0x2;
	s2 =	sadd.s32 s2, s3;
	[tilespmem:$0x800] =	vst v0  }
0x3f: {  	[hbm4b:s2+s30] =	stream.linear.scatter [tilespmem:s4], [sflag:$0x2], $0x80, $0x38;
	[tilespmem:$0x880] =	vst v63  }
0x40: {  	_ =	swait.ge [sflag:s31], $0x80  }
0x41: {  	[sflag:s31] =	ssyncset.done $0x0  }
0x42: {  	[sflag:s31] =	ssyncadd.s32 $0xFFFFFF80  }
0x43: {  	_ =	sfence.sel $0x180000  }
0x44: {  	[bflag:$0x0] =	sbarrier.arrive $0xFFFF  }
0x45: {  	p0 =	sne.s32 s1, $0x0;
	_ =	strace $0x90000047  }
0x46: {  	s0 =	sadd.s32 @!p0 $0x100000, s0;
	[bflag:$0x2] =	sbarrier.arrive $0xFFFF  }
0x47: {  	[sflag:s0] =	ssyncadd.tile.s32 @!p0 $0x1;
	_ =	shalt  }
.Lfunc_end2:
_tile_overlayer_lowered:
.L_overlay_start_2:
0x48: {  	(tag) =	ssettag $0x2  }
0x49: {  	s0 =	rddreg [dreg:$0x0];
	s2 =	stileid.u32  }
0x4a: {  	s1 =	rddreg [dreg:$0x1];
	p0 =	sne.s32 s2, $0x0  }
0x4b: {  	s3 =	rddreg [dreg:$0x2];
	[bflag:$0x3] =	sbarrier.arrive $0xFFFF;
	s2 =	simm.s32 @!p0 $0x1C02  }
0x4c: {  	[timem:s3], [sflag:s2] =	dma.local @!p0 [hbm:s0], s1  }
0x4d: {  	s0 =	simm.s32 @!p0 $0x2  }
0x4e: {  	_ =	swait.ge @!p0 [sflag:s0], s1  }
0x4f: {  	s1 =	ssub.s32 @!p0 $0x0, s1;
	[sflag:s0] =	ssyncset.done @!p0 $0x0  }
0x50: {  	[sflag:s0] =	ssyncadd.s32 @!p0 s1  }
0x51: {  	[bflag:$0x3] =	sbarrier.arrive $0xFFFF  }
0x52: {  	_ =	shalt  }

</sc_bundles>
